<compile_context>
chip_gen: v7x
topology: tpu7x:2x2x1
jax: 0.10.2.dev20260603
libtpu: 0.0.44.dev20260713+nightly
codegen_flags: <defaults>
</compile_context>

<pallas_src>
import functools

import jax
import jax.numpy as jnp
from jax import lax
from jax.experimental import pallas as pl
from jax.experimental.pallas import tpu as pltpu
from jax.experimental.pallas import tpu_sc as plsc

_TC_ROWS = 3072
_TC_CHUNKS = 4
_SC_CHUNK_ROWS = 16


def _staged_copy(w_ref, o_ref, scratch, in_sems, out_sems):
    rows = o_ref.shape[0]
    chunk = rows // _TC_CHUNKS
    in_copies = [
        pltpu.make_async_copy(
            w_ref.at[pl.ds(i * chunk, chunk), :],
            scratch.at[pl.ds(i * chunk, chunk), :],
            in_sems.at[i],
        )
        for i in range(_TC_CHUNKS)
    ]
    out_copies = [
        pltpu.make_async_copy(
            scratch.at[pl.ds(i * chunk, chunk), :],
            o_ref.at[pl.ds(i * chunk, chunk), :],
            out_sems.at[i],
        )
        for i in range(_TC_CHUNKS)
    ]
    for c in in_copies:
        c.start()
    for i in range(_TC_CHUNKS):
        in_copies[i].wait()
        out_copies[i].start()
    for c in out_copies:
        c.wait()


def _make_sc_copy(row_base, rows, hidden, dtype):
    info = plsc.get_sparse_core_info()
    nc, ns = info.num_cores, info.num_subcores
    nw = nc * ns
    rows_per_w = rows // nw
    n_chunks = max(1, rows_per_w // _SC_CHUNK_ROWS)
    chunk = rows_per_w // n_chunks
    mesh = plsc.VectorSubcoreMesh(core_axis_name="c", subcore_axis_name="s")

    @functools.partial(
        pl.kernel,
        mesh=mesh,
        out_type=jax.ShapeDtypeStruct((rows, hidden), dtype),
        scratch_types=[
            pltpu.VMEM((None, hidden), dtype) if False else pltpu.VMEM((16, hidden), dtype),
            pltpu.VMEM((16, hidden), dtype),
            pltpu.SemaphoreType.DMA,
            pltpu.SemaphoreType.DMA,
            pltpu.SemaphoreType.DMA,
            pltpu.SemaphoreType.DMA,
        ],
    )
    def sc_copy(w_hbm, o_hbm, buf0, buf1, rs0, rs1, ws0, ws1):
        wid = lax.axis_index("s") * nc + lax.axis_index("c")
        base = wid * rows_per_w
        bufs = (buf0, buf1)
        rsems = (rs0, rs1)
        wsems = (ws0, ws1)
        reads = [None] * n_chunks
        writes = [None] * n_chunks
        for c in range(min(2, n_chunks)):
            reads[c] = pltpu.async_copy(
                w_hbm.at[pl.ds(row_base + base + c * chunk, chunk), :],
                bufs[c % 2].at[pl.ds(0, chunk), :],
                rsems[c % 2],
            )
        for c in range(n_chunks):
            b = c % 2
            reads[c].wait()
            writes[c] = pltpu.async_copy(
                bufs[b].at[pl.ds(0, chunk), :],
                o_hbm.at[pl.ds(base + c * chunk, chunk), :],
                wsems[b],
            )
            nxt = c + 2
            if nxt < n_chunks:
                writes[c].wait()
                reads[nxt] = pltpu.async_copy(
                    w_hbm.at[pl.ds(row_base + base + nxt * chunk, chunk), :],
                    bufs[b].at[pl.ds(0, chunk), :],
                    rsems[b],
                )
        for c in range(max(0, n_chunks - 2), n_chunks):
            writes[c].wait()

    return sc_copy


def kernel(x, weight):
    seq_len = x.shape[1]
    hidden = weight.shape[1]
    tc_out = pl.pallas_call(
        _staged_copy,
        in_specs=[pl.BlockSpec(memory_space=pl.ANY)],
        out_specs=pl.BlockSpec(memory_space=pl.ANY),
        out_shape=jax.ShapeDtypeStruct((_TC_ROWS, hidden), weight.dtype),
        scratch_shapes=[
            pltpu.VMEM((_TC_ROWS, hidden), weight.dtype),
            pltpu.SemaphoreType.DMA((_TC_CHUNKS,)),
            pltpu.SemaphoreType.DMA((_TC_CHUNKS,)),
        ],
    )(weight)
    sc_out = _make_sc_copy(_TC_ROWS, seq_len - _TC_ROWS, hidden, weight.dtype)(weight)
    return (tc_out, sc_out)

# --- scband reference (transcript-rebuilt; emitter-appended) ---
"""Pipeline reference for scband-positional-embedding-wrapper-37039797960717 (READ-ONLY COPY).

The authoritative reference and input builder live on the scoring server;
editing this copy changes nothing except your own understanding.
"""

import jax, jax.numpy as jnp
import numpy as np

VOCAB_SIZE = 8192
HIDDEN_SIZE = 2048

def setup_inputs(seed: int = 0) -> dict:
    key = jax.random.key(seed)
    k1, k2 = jax.random.split(key)
    x = jax.random.randint(k1, (2, 4096), 0, VOCAB_SIZE, dtype=jnp.int64)
    weight = jax.random.normal(k2, (VOCAB_SIZE, HIDDEN_SIZE), dtype=jnp.float32) * 0.02
    return {"x": x, "weight": weight}

def reference(x, weight):
    # PositionalEmbeddingWrapper.forward: return self.weight[:x.size(1)].unsqueeze(0)
    seq_len = x.shape[1]
    return weight[:seq_len][None, :, :]

if __name__ == "__main__":
    import jax
    _d = setup_inputs()
    print(jax.jit(kernel)(*tuple(_d.values())))

</pallas_src>

<mosaic_0001>
#map = affine_map<(d0, d1) -> (0, 0)>
module attributes {stable_mosaic.version = 14 : i64} {
  func.func @sc_copy(%arg0: i32, %arg1: i32, %arg2: memref<8192x2048xf32, #tpu.memory_space<hbm>>, %arg3: memref<1024x2048xf32, #tpu.memory_space<hbm>>, %arg4: memref<16x2048xf32, #tpu.memory_space<vmem>>, %arg5: memref<16x2048xf32, #tpu.memory_space<vmem>>, %arg6: memref<!tpu.dma_semaphore, #tpu.memory_space<semaphore_mem>>, %arg7: memref<!tpu.dma_semaphore, #tpu.memory_space<semaphore_mem>>, %arg8: memref<!tpu.dma_semaphore, #tpu.memory_space<semaphore_mem>>, %arg9: memref<!tpu.dma_semaphore, #tpu.memory_space<semaphore_mem>>) attributes {dimension_semantics = [#tpu.dimension_semantics<core_parallel>, #tpu.dimension_semantics<subcore_parallel>], iteration_bounds = array<i64: 2, 16>, scalar_prefetch = 0 : i64, scratch_operands = 6 : i64, tpu.core_type = #tpu.core_type<sc_vector_subcore>, window_params = [{transform_indices = #map}, {transform_indices = #map}]} {
    %mul3A = arith.constant 2 : i32
    %mul3A_0 = arith.muli %arg1, %mul3A : i32
    %add3A = arith.addi %mul3A_0, %arg0 : i32
    %mul3A_1 = arith.constant 32 : i32
    %mul3A_2 = arith.muli %add3A, %mul3A_1 : i32
    %add3A_3 = arith.constant 3072 : i32
    %add3A_4 = arith.addi %add3A_3, %mul3A_2 : i32
    %add3A_5 = arith.constant 0 : i32
    %add3A_6 = arith.addi %add3A_4, %add3A_5 : i32
    %dma_start3A = arith.constant 0 : i32
    %dma_start3A_7 = arith.constant 0 : i32
    %dma_start3A_8 = tpu.memref_slice %arg4[%dma_start3A, %dma_start3A_7] : memref<16x2048xf32, #tpu.memory_space<vmem>> -> memref<16x2048xf32, #tpu.memory_space<vmem>>
    %dma_start3A_9 = arith.constant 0 : i32
    %dma_start3A_10 = tpu.memref_slice %arg2[%add3A_6, %dma_start3A_9] : memref<8192x2048xf32, #tpu.memory_space<hbm>> -> memref<16x2048xf32, #tpu.memory_space<hbm>>
    %dma_start3A_11 = arith.constant 0 : i32
    %dma_start3A_12 = arith.constant 0 : i32
    %dma_start3A_13 = tpu.memref_slice %arg4[%dma_start3A_11, %dma_start3A_12] : memref<16x2048xf32, #tpu.memory_space<vmem>> -> memref<16x2048xf32, #tpu.memory_space<vmem>>
    %dma_start3A_14 = arith.constant 0 : i32
    %dma_start3A_15 = tpu.memref_slice %arg2[%add3A_6, %dma_start3A_14] : memref<8192x2048xf32, #tpu.memory_space<hbm>> -> memref<16x2048xf32, #tpu.memory_space<hbm>>
    tpu.enqueue_dma source(%dma_start3A_15 : memref<16x2048xf32, #tpu.memory_space<hbm>>) target(%dma_start3A_13 : memref<16x2048xf32, #tpu.memory_space<vmem>>) target_semaphore(%arg6 : memref<!tpu.dma_semaphore, #tpu.memory_space<semaphore_mem>>)
    %add3A_16 = arith.constant 3072 : i32
    %add3A_17 = arith.addi %add3A_16, %mul3A_2 : i32
    %add3A_18 = arith.constant 16 : i32
    %add3A_19 = arith.addi %add3A_17, %add3A_18 : i32
    %dma_start3A_20 = arith.constant 0 : i32
    %dma_start3A_21 = arith.constant 0 : i32
    %dma_start3A_22 = tpu.memref_slice %arg5[%dma_start3A_20, %dma_start3A_21] : memref<16x2048xf32, #tpu.memory_space<vmem>> -> memref<16x2048xf32, #tpu.memory_space<vmem>>
    %dma_start3A_23 = arith.constant 0 : i32
    %dma_start3A_24 = tpu.memref_slice %arg2[%add3A_19, %dma_start3A_23] : memref<8192x2048xf32, #tpu.memory_space<hbm>> -> memref<16x2048xf32, #tpu.memory_space<hbm>>
    %dma_start3A_25 = arith.constant 0 : i32
    %dma_start3A_26 = arith.constant 0 : i32
    %dma_start3A_27 = tpu.memref_slice %arg5[%dma_start3A_25, %dma_start3A_26] : memref<16x2048xf32, #tpu.memory_space<vmem>> -> memref<16x2048xf32, #tpu.memory_space<vmem>>
    %dma_start3A_28 = arith.constant 0 : i32
    %dma_start3A_29 = tpu.memref_slice %arg2[%add3A_19, %dma_start3A_28] : memref<8192x2048xf32, #tpu.memory_space<hbm>> -> memref<16x2048xf32, #tpu.memory_space<hbm>>
    tpu.enqueue_dma source(%dma_start3A_29 : memref<16x2048xf32, #tpu.memory_space<hbm>>) target(%dma_start3A_27 : memref<16x2048xf32, #tpu.memory_space<vmem>>) target_semaphore(%arg7 : memref<!tpu.dma_semaphore, #tpu.memory_space<semaphore_mem>>)
    %dma_wait3A = arith.constant 0 : i32
    %dma_wait3A_30 = arith.constant 0 : i32
    %dma_wait3A_31 = tpu.memref_slice %arg4[%dma_wait3A, %dma_wait3A_30] : memref<16x2048xf32, #tpu.memory_space<vmem>> -> memref<16x2048xf32, #tpu.memory_space<vmem>>
    %dma_wait3A_32 = arith.constant 0 : i32
    %dma_wait3A_33 = tpu.memref_slice %arg2[%add3A_6, %dma_wait3A_32] : memref<8192x2048xf32, #tpu.memory_space<hbm>> -> memref<16x2048xf32, #tpu.memory_space<hbm>>
    %dma_wait3A_34 = arith.constant 0 : i32
    %dma_wait3A_35 = arith.constant 0 : i32
    %dma_wait3A_36 = tpu.memref_slice %arg4[%dma_wait3A_34, %dma_wait3A_35] : memref<16x2048xf32, #tpu.memory_space<vmem>> -> memref<16x2048xf32, #tpu.memory_space<vmem>>
    %dma_wait3A_37 = arith.constant 0 : i32
    %dma_wait3A_38 = tpu.memref_slice %arg2[%add3A_6, %dma_wait3A_37] : memref<8192x2048xf32, #tpu.memory_space<hbm>> -> memref<16x2048xf32, #tpu.memory_space<hbm>>
    tpu.wait_dma2 semaphore(%arg6 : memref<!tpu.dma_semaphore, #tpu.memory_space<semaphore_mem>>) src(%dma_wait3A_38 : memref<16x2048xf32, #tpu.memory_space<hbm>>) dst(%dma_wait3A_36 : memref<16x2048xf32, #tpu.memory_space<vmem>>)
    %add3A_39 = arith.constant 0 : i32
    %add3A_40 = arith.addi %mul3A_2, %add3A_39 : i32
    %dma_start3A_41 = arith.constant 0 : i32
    %dma_start3A_42 = arith.constant 0 : i32
    %dma_start3A_43 = tpu.memref_slice %arg4[%dma_start3A_41, %dma_start3A_42] : memref<16x2048xf32, #tpu.memory_space<vmem>> -> memref<16x2048xf32, #tpu.memory_space<vmem>>
    %dma_start3A_44 = arith.constant 0 : i32
    %dma_start3A_45 = tpu.memref_slice %arg3[%add3A_40, %dma_start3A_44] : memref<1024x2048xf32, #tpu.memory_space<hbm>> -> memref<16x2048xf32, #tpu.memory_space<hbm>>
    %dma_start3A_46 = arith.constant 0 : i32
    %dma_start3A_47 = tpu.memref_slice %arg3[%add3A_40, %dma_start3A_46] : memref<1024x2048xf32, #tpu.memory_space<hbm>> -> memref<16x2048xf32, #tpu.memory_space<hbm>>
    %dma_start3A_48 = arith.constant 0 : i32
    %dma_start3A_49 = arith.constant 0 : i32
    %dma_start3A_50 = tpu.memref_slice %arg4[%dma_start3A_48, %dma_start3A_49] : memref<16x2048xf32, #tpu.memory_space<vmem>> -> memref<16x2048xf32, #tpu.memory_space<vmem>>
    tpu.enqueue_dma source(%dma_start3A_50 : memref<16x2048xf32, #tpu.memory_space<vmem>>) target(%dma_start3A_47 : memref<16x2048xf32, #tpu.memory_space<hbm>>) target_semaphore(%arg8 : memref<!tpu.dma_semaphore, #tpu.memory_space<semaphore_mem>>)
    %dma_wait3A_51 = arith.constant 0 : i32
    %dma_wait3A_52 = arith.constant 0 : i32
    %dma_wait3A_53 = tpu.memref_slice %arg5[%dma_wait3A_51, %dma_wait3A_52] : memref<16x2048xf32, #tpu.memory_space<vmem>> -> memref<16x2048xf32, #tpu.memory_space<vmem>>
    %dma_wait3A_54 = arith.constant 0 : i32
    %dma_wait3A_55 = tpu.memref_slice %arg2[%add3A_19, %dma_wait3A_54] : memref<8192x2048xf32, #tpu.memory_space<hbm>> -> memref<16x2048xf32, #tpu.memory_space<hbm>>
    %dma_wait3A_56 = arith.constant 0 : i32
    %dma_wait3A_57 = arith.constant 0 : i32
    %dma_wait3A_58 = tpu.memref_slice %arg5[%dma_wait3A_56, %dma_wait3A_57] : memref<16x2048xf32, #tpu.memory_space<vmem>> -> memref<16x2048xf32, #tpu.memory_space<vmem>>
    %dma_wait3A_59 = arith.constant 0 : i32
    %dma_wait3A_60 = tpu.memref_slice %arg2[%add3A_19, %dma_wait3A_59] : memref<8192x2048xf32, #tpu.memory_space<hbm>> -> memref<16x2048xf32, #tpu.memory_space<hbm>>
    tpu.wait_dma2 semaphore(%arg7 : memref<!tpu.dma_semaphore, #tpu.memory_space<semaphore_mem>>) src(%dma_wait3A_60 : memref<16x2048xf32, #tpu.memory_space<hbm>>) dst(%dma_wait3A_58 : memref<16x2048xf32, #tpu.memory_space<vmem>>)
    %add3A_61 = arith.constant 16 : i32
    %add3A_62 = arith.addi %mul3A_2, %add3A_61 : i32
    %dma_start3A_63 = arith.constant 0 : i32
    %dma_start3A_64 = arith.constant 0 : i32
    %dma_start3A_65 = tpu.memref_slice %arg5[%dma_start3A_63, %dma_start3A_64] : memref<16x2048xf32, #tpu.memory_space<vmem>> -> memref<16x2048xf32, #tpu.memory_space<vmem>>
    %dma_start3A_66 = arith.constant 0 : i32
    %dma_start3A_67 = tpu.memref_slice %arg3[%add3A_62, %dma_start3A_66] : memref<1024x2048xf32, #tpu.memory_space<hbm>> -> memref<16x2048xf32, #tpu.memory_space<hbm>>
    %dma_start3A_68 = arith.constant 0 : i32
    %dma_start3A_69 = tpu.memref_slice %arg3[%add3A_62, %dma_start3A_68] : memref<1024x2048xf32, #tpu.memory_space<hbm>> -> memref<16x2048xf32, #tpu.memory_space<hbm>>
    %dma_start3A_70 = arith.constant 0 : i32
    %dma_start3A_71 = arith.constant 0 : i32
    %dma_start3A_72 = tpu.memref_slice %arg5[%dma_start3A_70, %dma_start3A_71] : memref<16x2048xf32, #tpu.memory_space<vmem>> -> memref<16x2048xf32, #tpu.memory_space<vmem>>
    tpu.enqueue_dma source(%dma_start3A_72 : memref<16x2048xf32, #tpu.memory_space<vmem>>) target(%dma_start3A_69 : memref<16x2048xf32, #tpu.memory_space<hbm>>) target_semaphore(%arg9 : memref<!tpu.dma_semaphore, #tpu.memory_space<semaphore_mem>>)
    %dma_wait3A_73 = arith.constant 0 : i32
    %dma_wait3A_74 = arith.constant 0 : i32
    %dma_wait3A_75 = tpu.memref_slice %arg4[%dma_wait3A_73, %dma_wait3A_74] : memref<16x2048xf32, #tpu.memory_space<vmem>> -> memref<16x2048xf32, #tpu.memory_space<vmem>>
    %dma_wait3A_76 = arith.constant 0 : i32
    %dma_wait3A_77 = tpu.memref_slice %arg3[%add3A_40, %dma_wait3A_76] : memref<1024x2048xf32, #tpu.memory_space<hbm>> -> memref<16x2048xf32, #tpu.memory_space<hbm>>
    %dma_wait3A_78 = arith.constant 0 : i32
    %dma_wait3A_79 = tpu.memref_slice %arg3[%add3A_40, %dma_wait3A_78] : memref<1024x2048xf32, #tpu.memory_space<hbm>> -> memref<16x2048xf32, #tpu.memory_space<hbm>>
    %dma_wait3A_80 = arith.constant 0 : i32
    %dma_wait3A_81 = arith.constant 0 : i32
    %dma_wait3A_82 = tpu.memref_slice %arg4[%dma_wait3A_80, %dma_wait3A_81] : memref<16x2048xf32, #tpu.memory_space<vmem>> -> memref<16x2048xf32, #tpu.memory_space<vmem>>
    tpu.wait_dma2 semaphore(%arg8 : memref<!tpu.dma_semaphore, #tpu.memory_space<semaphore_mem>>) src(%dma_wait3A_82 : memref<16x2048xf32, #tpu.memory_space<vmem>>) dst(%dma_wait3A_79 : memref<16x2048xf32, #tpu.memory_space<hbm>>)
    %dma_wait3A_83 = arith.constant 0 : i32
    %dma_wait3A_84 = arith.constant 0 : i32
    %dma_wait3A_85 = tpu.memref_slice %arg5[%dma_wait3A_83, %dma_wait3A_84] : memref<16x2048xf32, #tpu.memory_space<vmem>> -> memref<16x2048xf32, #tpu.memory_space<vmem>>
    %dma_wait3A_86 = arith.constant 0 : i32
    %dma_wait3A_87 = tpu.memref_slice %arg3[%add3A_62, %dma_wait3A_86] : memref<1024x2048xf32, #tpu.memory_space<hbm>> -> memref<16x2048xf32, #tpu.memory_space<hbm>>
    %dma_wait3A_88 = arith.constant 0 : i32
    %dma_wait3A_89 = tpu.memref_slice %arg3[%add3A_62, %dma_wait3A_88] : memref<1024x2048xf32, #tpu.memory_space<hbm>> -> memref<16x2048xf32, #tpu.memory_space<hbm>>
    %dma_wait3A_90 = arith.constant 0 : i32
    %dma_wait3A_91 = arith.constant 0 : i32
    %dma_wait3A_92 = tpu.memref_slice %arg5[%dma_wait3A_90, %dma_wait3A_91] : memref<16x2048xf32, #tpu.memory_space<vmem>> -> memref<16x2048xf32, #tpu.memory_space<vmem>>
    tpu.wait_dma2 semaphore(%arg9 : memref<!tpu.dma_semaphore, #tpu.memory_space<semaphore_mem>>) src(%dma_wait3A_92 : memref<16x2048xf32, #tpu.memory_space<vmem>>) dst(%dma_wait3A_89 : memref<16x2048xf32, #tpu.memory_space<hbm>>)
    return
  }
}

module attributes {stable_mosaic.version = 14 : i64} {
  func.func @_staged_copy(%arg0: memref<8192x2048xf32, #tpu.memory_space<any>>, %arg1: memref<3072x2048xf32, #tpu.memory_space<any>>, %arg2: memref<3072x2048xf32, #tpu.memory_space<vmem>>, %arg3: memref<4x!tpu.dma_semaphore, #tpu.memory_space<semaphore_mem>>, %arg4: memref<4x!tpu.dma_semaphore, #tpu.memory_space<semaphore_mem>>) attributes {dimension_semantics = [], scalar_prefetch = 0 : i64, scratch_operands = 3 : i64, tpu.core_type = #tpu.core_type<tc>} {
    %dma_start3A = arith.constant 0 : i32
    %dma_start3A_0 = tpu.memref_slice %arg3[%dma_start3A] : memref<4x!tpu.dma_semaphore, #tpu.memory_space<semaphore_mem>> -> memref<1x!tpu.dma_semaphore, #tpu.memory_space<semaphore_mem>>
    %dma_start3A_1 = tpu.memref_squeeze %dma_start3A_0 : memref<1x!tpu.dma_semaphore, #tpu.memory_space<semaphore_mem>> -> memref<!tpu.dma_semaphore, #tpu.memory_space<semaphore_mem>>
    %dma_start3A_2 = arith.constant 0 : i32
    %dma_start3A_3 = arith.constant 0 : i32
    %dma_start3A_4 = tpu.memref_slice %arg2[%dma_start3A_2, %dma_start3A_3] : memref<3072x2048xf32, #tpu.memory_space<vmem>> -> memref<768x2048xf32, #tpu.memory_space<vmem>>
    %dma_start3A_5 = arith.constant 0 : i32
    %dma_start3A_6 = arith.constant 0 : i32
    %dma_start3A_7 = tpu.memref_slice %arg0[%dma_start3A_5, %dma_start3A_6] : memref<8192x2048xf32, #tpu.memory_space<any>> -> memref<768x2048xf32, #tpu.memory_space<any>>
    tpu.enqueue_dma source(%dma_start3A_7 : memref<768x2048xf32, #tpu.memory_space<any>>) target(%dma_start3A_4 : memref<768x2048xf32, #tpu.memory_space<vmem>>) target_semaphore(%dma_start3A_1 : memref<!tpu.dma_semaphore, #tpu.memory_space<semaphore_mem>>)
    %dma_start3A_8 = arith.constant 1 : i32
    %dma_start3A_9 = tpu.memref_slice %arg3[%dma_start3A_8] : memref<4x!tpu.dma_semaphore, #tpu.memory_space<semaphore_mem>> -> memref<1x!tpu.dma_semaphore, #tpu.memory_space<semaphore_mem>>
    %dma_start3A_10 = tpu.memref_squeeze %dma_start3A_9 : memref<1x!tpu.dma_semaphore, #tpu.memory_space<semaphore_mem>> -> memref<!tpu.dma_semaphore, #tpu.memory_space<semaphore_mem>>
    %dma_start3A_11 = arith.constant 768 : i32
    %dma_start3A_12 = arith.constant 0 : i32
    %dma_start3A_13 = tpu.memref_slice %arg2[%dma_start3A_11, %dma_start3A_12] : memref<3072x2048xf32, #tpu.memory_space<vmem>> -> memref<768x2048xf32, #tpu.memory_space<vmem>>
    %dma_start3A_14 = arith.constant 768 : i32
    %dma_start3A_15 = arith.constant 0 : i32
    %dma_start3A_16 = tpu.memref_slice %arg0[%dma_start3A_14, %dma_start3A_15] : memref<8192x2048xf32, #tpu.memory_space<any>> -> memref<768x2048xf32, #tpu.memory_space<any>>
    tpu.enqueue_dma source(%dma_start3A_16 : memref<768x2048xf32, #tpu.memory_space<any>>) target(%dma_start3A_13 : memref<768x2048xf32, #tpu.memory_space<vmem>>) target_semaphore(%dma_start3A_10 : memref<!tpu.dma_semaphore, #tpu.memory_space<semaphore_mem>>)
    %dma_start3A_17 = arith.constant 2 : i32
    %dma_start3A_18 = tpu.memref_slice %arg3[%dma_start3A_17] : memref<4x!tpu.dma_semaphore, #tpu.memory_space<semaphore_mem>> -> memref<1x!tpu.dma_semaphore, #tpu.memory_space<semaphore_mem>>
    %dma_start3A_19 = tpu.memref_squeeze %dma_start3A_18 : memref<1x!tpu.dma_semaphore, #tpu.memory_space<semaphore_mem>> -> memref<!tpu.dma_semaphore, #tpu.memory_space<semaphore_mem>>
    %dma_start3A_20 = arith.constant 1536 : i32
    %dma_start3A_21 = arith.constant 0 : i32
    %dma_start3A_22 = tpu.memref_slice %arg2[%dma_start3A_20, %dma_start3A_21] : memref<3072x2048xf32, #tpu.memory_space<vmem>> -> memref<768x2048xf32, #tpu.memory_space<vmem>>
    %dma_start3A_23 = arith.constant 1536 : i32
    %dma_start3A_24 = arith.constant 0 : i32
    %dma_start3A_25 = tpu.memref_slice %arg0[%dma_start3A_23, %dma_start3A_24] : memref<8192x2048xf32, #tpu.memory_space<any>> -> memref<768x2048xf32, #tpu.memory_space<any>>
    tpu.enqueue_dma source(%dma_start3A_25 : memref<768x2048xf32, #tpu.memory_space<any>>) target(%dma_start3A_22 : memref<768x2048xf32, #tpu.memory_space<vmem>>) target_semaphore(%dma_start3A_19 : memref<!tpu.dma_semaphore, #tpu.memory_space<semaphore_mem>>)
    %dma_start3A_26 = arith.constant 3 : i32
    %dma_start3A_27 = tpu.memref_slice %arg3[%dma_start3A_26] : memref<4x!tpu.dma_semaphore, #tpu.memory_space<semaphore_mem>> -> memref<1x!tpu.dma_semaphore, #tpu.memory_space<semaphore_mem>>
    %dma_start3A_28 = tpu.memref_squeeze %dma_start3A_27 : memref<1x!tpu.dma_semaphore, #tpu.memory_space<semaphore_mem>> -> memref<!tpu.dma_semaphore, #tpu.memory_space<semaphore_mem>>
    %dma_start3A_29 = arith.constant 2304 : i32
    %dma_start3A_30 = arith.constant 0 : i32
    %dma_start3A_31 = tpu.memref_slice %arg2[%dma_start3A_29, %dma_start3A_30] : memref<3072x2048xf32, #tpu.memory_space<vmem>> -> memref<768x2048xf32, #tpu.memory_space<vmem>>
    %dma_start3A_32 = arith.constant 2304 : i32
    %dma_start3A_33 = arith.constant 0 : i32
    %dma_start3A_34 = tpu.memref_slice %arg0[%dma_start3A_32, %dma_start3A_33] : memref<8192x2048xf32, #tpu.memory_space<any>> -> memref<768x2048xf32, #tpu.memory_space<any>>
    tpu.enqueue_dma source(%dma_start3A_34 : memref<768x2048xf32, #tpu.memory_space<any>>) target(%dma_start3A_31 : memref<768x2048xf32, #tpu.memory_space<vmem>>) target_semaphore(%dma_start3A_28 : memref<!tpu.dma_semaphore, #tpu.memory_space<semaphore_mem>>)
    %dma_wait3A = arith.constant 0 : i32
    %dma_wait3A_35 = tpu.memref_slice %arg3[%dma_wait3A] : memref<4x!tpu.dma_semaphore, #tpu.memory_space<semaphore_mem>> -> memref<1x!tpu.dma_semaphore, #tpu.memory_space<semaphore_mem>>
    %dma_wait3A_36 = tpu.memref_squeeze %dma_wait3A_35 : memref<1x!tpu.dma_semaphore, #tpu.memory_space<semaphore_mem>> -> memref<!tpu.dma_semaphore, #tpu.memory_space<semaphore_mem>>
    %dma_wait3A_37 = arith.constant 0 : i32
    %dma_wait3A_38 = arith.constant 0 : i32
    %dma_wait3A_39 = tpu.memref_slice %arg2[%dma_wait3A_37, %dma_wait3A_38] : memref<3072x2048xf32, #tpu.memory_space<vmem>> -> memref<768x2048xf32, #tpu.memory_space<vmem>>
    %dma_wait3A_40 = arith.constant 0 : i32
    %dma_wait3A_41 = arith.constant 0 : i32
    %dma_wait3A_42 = tpu.memref_slice %arg0[%dma_wait3A_40, %dma_wait3A_41] : memref<8192x2048xf32, #tpu.memory_space<any>> -> memref<768x2048xf32, #tpu.memory_space<any>>
    tpu.wait_dma2 semaphore(%dma_wait3A_36 : memref<!tpu.dma_semaphore, #tpu.memory_space<semaphore_mem>>) src(%dma_wait3A_42 : memref<768x2048xf32, #tpu.memory_space<any>>) dst(%dma_wait3A_39 : memref<768x2048xf32, #tpu.memory_space<vmem>>)
    %dma_start3A_43 = arith.constant 0 : i32
    %dma_start3A_44 = tpu.memref_slice %arg4[%dma_start3A_43] : memref<4x!tpu.dma_semaphore, #tpu.memory_space<semaphore_mem>> -> memref<1x!tpu.dma_semaphore, #tpu.memory_space<semaphore_mem>>
    %dma_start3A_45 = tpu.memref_squeeze %dma_start3A_44 : memref<1x!tpu.dma_semaphore, #tpu.memory_space<semaphore_mem>> -> memref<!tpu.dma_semaphore, #tpu.memory_space<semaphore_mem>>
    %dma_start3A_46 = arith.constant 0 : i32
    %dma_start3A_47 = arith.constant 0 : i32
    %dma_start3A_48 = tpu.memref_slice %arg1[%dma_start3A_46, %dma_start3A_47] : memref<3072x2048xf32, #tpu.memory_space<any>> -> memref<768x2048xf32, #tpu.memory_space<any>>
    %dma_start3A_49 = arith.constant 0 : i32
    %dma_start3A_50 = arith.constant 0 : i32
    %dma_start3A_51 = tpu.memref_slice %arg2[%dma_start3A_49, %dma_start3A_50] : memref<3072x2048xf32, #tpu.memory_space<vmem>> -> memref<768x2048xf32, #tpu.memory_space<vmem>>
    tpu.enqueue_dma source(%dma_start3A_51 : memref<768x2048xf32, #tpu.memory_space<vmem>>) target(%dma_start3A_48 : memref<768x2048xf32, #tpu.memory_space<any>>) target_semaphore(%dma_start3A_45 : memref<!tpu.dma_semaphore, #tpu.memory_space<semaphore_mem>>)
    %dma_wait3A_52 = arith.constant 1 : i32
    %dma_wait3A_53 = tpu.memref_slice %arg3[%dma_wait3A_52] : memref<4x!tpu.dma_semaphore, #tpu.memory_space<semaphore_mem>> -> memref<1x!tpu.dma_semaphore, #tpu.memory_space<semaphore_mem>>
    %dma_wait3A_54 = tpu.memref_squeeze %dma_wait3A_53 : memref<1x!tpu.dma_semaphore, #tpu.memory_space<semaphore_mem>> -> memref<!tpu.dma_semaphore, #tpu.memory_space<semaphore_mem>>
    %dma_wait3A_55 = arith.constant 768 : i32
    %dma_wait3A_56 = arith.constant 0 : i32
    %dma_wait3A_57 = tpu.memref_slice %arg2[%dma_wait3A_55, %dma_wait3A_56] : memref<3072x2048xf32, #tpu.memory_space<vmem>> -> memref<768x2048xf32, #tpu.memory_space<vmem>>
    %dma_wait3A_58 = arith.constant 768 : i32
    %dma_wait3A_59 = arith.constant 0 : i32
    %dma_wait3A_60 = tpu.memref_slice %arg0[%dma_wait3A_58, %dma_wait3A_59] : memref<8192x2048xf32, #tpu.memory_space<any>> -> memref<768x2048xf32, #tpu.memory_space<any>>
    tpu.wait_dma2 semaphore(%dma_wait3A_54 : memref<!tpu.dma_semaphore, #tpu.memory_space<semaphore_mem>>) src(%dma_wait3A_60 : memref<768x2048xf32, #tpu.memory_space<any>>) dst(%dma_wait3A_57 : memref<768x2048xf32, #tpu.memory_space<vmem>>)
    %dma_start3A_61 = arith.constant 1 : i32
    %dma_start3A_62 = tpu.memref_slice %arg4[%dma_start3A_61] : memref<4x!tpu.dma_semaphore, #tpu.memory_space<semaphore_mem>> -> memref<1x!tpu.dma_semaphore, #tpu.memory_space<semaphore_mem>>
    %dma_start3A_63 = tpu.memref_squeeze %dma_start3A_62 : memref<1x!tpu.dma_semaphore, #tpu.memory_space<semaphore_mem>> -> memref<!tpu.dma_semaphore, #tpu.memory_space<semaphore_mem>>
    %dma_start3A_64 = arith.constant 768 : i32
    %dma_start3A_65 = arith.constant 0 : i32
    %dma_start3A_66 = tpu.memref_slice %arg1[%dma_start3A_64, %dma_start3A_65] : memref<3072x2048xf32, #tpu.memory_space<any>> -> memref<768x2048xf32, #tpu.memory_space<any>>
    %dma_start3A_67 = arith.constant 768 : i32
    %dma_start3A_68 = arith.constant 0 : i32
    %dma_start3A_69 = tpu.memref_slice %arg2[%dma_start3A_67, %dma_start3A_68] : memref<3072x2048xf32, #tpu.memory_space<vmem>> -> memref<768x2048xf32, #tpu.memory_space<vmem>>
    tpu.enqueue_dma source(%dma_start3A_69 : memref<768x2048xf32, #tpu.memory_space<vmem>>) target(%dma_start3A_66 : memref<768x2048xf32, #tpu.memory_space<any>>) target_semaphore(%dma_start3A_63 : memref<!tpu.dma_semaphore, #tpu.memory_space<semaphore_mem>>)
    %dma_wait3A_70 = arith.constant 2 : i32
    %dma_wait3A_71 = tpu.memref_slice %arg3[%dma_wait3A_70] : memref<4x!tpu.dma_semaphore, #tpu.memory_space<semaphore_mem>> -> memref<1x!tpu.dma_semaphore, #tpu.memory_space<semaphore_mem>>
    %dma_wait3A_72 = tpu.memref_squeeze %dma_wait3A_71 : memref<1x!tpu.dma_semaphore, #tpu.memory_space<semaphore_mem>> -> memref<!tpu.dma_semaphore, #tpu.memory_space<semaphore_mem>>
    %dma_wait3A_73 = arith.constant 1536 : i32
    %dma_wait3A_74 = arith.constant 0 : i32
    %dma_wait3A_75 = tpu.memref_slice %arg2[%dma_wait3A_73, %dma_wait3A_74] : memref<3072x2048xf32, #tpu.memory_space<vmem>> -> memref<768x2048xf32, #tpu.memory_space<vmem>>
    %dma_wait3A_76 = arith.constant 1536 : i32
    %dma_wait3A_77 = arith.constant 0 : i32
    %dma_wait3A_78 = tpu.memref_slice %arg0[%dma_wait3A_76, %dma_wait3A_77] : memref<8192x2048xf32, #tpu.memory_space<any>> -> memref<768x2048xf32, #tpu.memory_space<any>>
    tpu.wait_dma2 semaphore(%dma_wait3A_72 : memref<!tpu.dma_semaphore, #tpu.memory_space<semaphore_mem>>) src(%dma_wait3A_78 : memref<768x2048xf32, #tpu.memory_space<any>>) dst(%dma_wait3A_75 : memref<768x2048xf32, #tpu.memory_space<vmem>>)
    %dma_start3A_79 = arith.constant 2 : i32
    %dma_start3A_80 = tpu.memref_slice %arg4[%dma_start3A_79] : memref<4x!tpu.dma_semaphore, #tpu.memory_space<semaphore_mem>> -> memref<1x!tpu.dma_semaphore, #tpu.memory_space<semaphore_mem>>
    %dma_start3A_81 = tpu.memref_squeeze %dma_start3A_80 : memref<1x!tpu.dma_semaphore, #tpu.memory_space<semaphore_mem>> -> memref<!tpu.dma_semaphore, #tpu.memory_space<semaphore_mem>>
    %dma_start3A_82 = arith.constant 1536 : i32
    %dma_start3A_83 = arith.constant 0 : i32
    %dma_start3A_84 = tpu.memref_slice %arg1[%dma_start3A_82, %dma_start3A_83] : memref<3072x2048xf32, #tpu.memory_space<any>> -> memref<768x2048xf32, #tpu.memory_space<any>>
    %dma_start3A_85 = arith.constant 1536 : i32
    %dma_start3A_86 = arith.constant 0 : i32
    %dma_start3A_87 = tpu.memref_slice %arg2[%dma_start3A_85, %dma_start3A_86] : memref<3072x2048xf32, #tpu.memory_space<vmem>> -> memref<768x2048xf32, #tpu.memory_space<vmem>>
    tpu.enqueue_dma source(%dma_start3A_87 : memref<768x2048xf32, #tpu.memory_space<vmem>>) target(%dma_start3A_84 : memref<768x2048xf32, #tpu.memory_space<any>>) target_semaphore(%dma_start3A_81 : memref<!tpu.dma_semaphore, #tpu.memory_space<semaphore_mem>>)
    %dma_wait3A_88 = arith.constant 3 : i32
    %dma_wait3A_89 = tpu.memref_slice %arg3[%dma_wait3A_88] : memref<4x!tpu.dma_semaphore, #tpu.memory_space<semaphore_mem>> -> memref<1x!tpu.dma_semaphore, #tpu.memory_space<semaphore_mem>>
    %dma_wait3A_90 = tpu.memref_squeeze %dma_wait3A_89 : memref<1x!tpu.dma_semaphore, #tpu.memory_space<semaphore_mem>> -> memref<!tpu.dma_semaphore, #tpu.memory_space<semaphore_mem>>
    %dma_wait3A_91 = arith.constant 2304 : i32
    %dma_wait3A_92 = arith.constant 0 : i32
    %dma_wait3A_93 = tpu.memref_slice %arg2[%dma_wait3A_91, %dma_wait3A_92] : memref<3072x2048xf32, #tpu.memory_space<vmem>> -> memref<768x2048xf32, #tpu.memory_space<vmem>>
    %dma_wait3A_94 = arith.constant 2304 : i32
    %dma_wait3A_95 = arith.constant 0 : i32
    %dma_wait3A_96 = tpu.memref_slice %arg0[%dma_wait3A_94, %dma_wait3A_95] : memref<8192x2048xf32, #tpu.memory_space<any>> -> memref<768x2048xf32, #tpu.memory_space<any>>
    tpu.wait_dma2 semaphore(%dma_wait3A_90 : memref<!tpu.dma_semaphore, #tpu.memory_space<semaphore_mem>>) src(%dma_wait3A_96 : memref<768x2048xf32, #tpu.memory_space<any>>) dst(%dma_wait3A_93 : memref<768x2048xf32, #tpu.memory_space<vmem>>)
    %dma_start3A_97 = arith.constant 3 : i32
    %dma_start3A_98 = tpu.memref_slice %arg4[%dma_start3A_97] : memref<4x!tpu.dma_semaphore, #tpu.memory_space<semaphore_mem>> -> memref<1x!tpu.dma_semaphore, #tpu.memory_space<semaphore_mem>>
    %dma_start3A_99 = tpu.memref_squeeze %dma_start3A_98 : memref<1x!tpu.dma_semaphore, #tpu.memory_space<semaphore_mem>> -> memref<!tpu.dma_semaphore, #tpu.memory_space<semaphore_mem>>
    %dma_start3A_100 = arith.constant 2304 : i32
    %dma_start3A_101 = arith.constant 0 : i32
    %dma_start3A_102 = tpu.memref_slice %arg1[%dma_start3A_100, %dma_start3A_101] : memref<3072x2048xf32, #tpu.memory_space<any>> -> memref<768x2048xf32, #tpu.memory_space<any>>
    %dma_start3A_103 = arith.constant 2304 : i32
    %dma_start3A_104 = arith.constant 0 : i32
    %dma_start3A_105 = tpu.memref_slice %arg2[%dma_start3A_103, %dma_start3A_104] : memref<3072x2048xf32, #tpu.memory_space<vmem>> -> memref<768x2048xf32, #tpu.memory_space<vmem>>
    tpu.enqueue_dma source(%dma_start3A_105 : memref<768x2048xf32, #tpu.memory_space<vmem>>) target(%dma_start3A_102 : memref<768x2048xf32, #tpu.memory_space<any>>) target_semaphore(%dma_start3A_99 : memref<!tpu.dma_semaphore, #tpu.memory_space<semaphore_mem>>)
    %dma_wait3A_106 = arith.constant 0 : i32
    %dma_wait3A_107 = tpu.memref_slice %arg4[%dma_wait3A_106] : memref<4x!tpu.dma_semaphore, #tpu.memory_space<semaphore_mem>> -> memref<1x!tpu.dma_semaphore, #tpu.memory_space<semaphore_mem>>
    %dma_wait3A_108 = tpu.memref_squeeze %dma_wait3A_107 : memref<1x!tpu.dma_semaphore, #tpu.memory_space<semaphore_mem>> -> memref<!tpu.dma_semaphore, #tpu.memory_space<semaphore_mem>>
    %dma_wait3A_109 = arith.constant 0 : i32
    %dma_wait3A_110 = arith.constant 0 : i32
    %dma_wait3A_111 = tpu.memref_slice %arg1[%dma_wait3A_109, %dma_wait3A_110] : memref<3072x2048xf32, #tpu.memory_space<any>> -> memref<768x2048xf32, #tpu.memory_space<any>>
    %dma_wait3A_112 = arith.constant 0 : i32
    %dma_wait3A_113 = arith.constant 0 : i32
    %dma_wait3A_114 = tpu.memref_slice %arg2[%dma_wait3A_112, %dma_wait3A_113] : memref<3072x2048xf32, #tpu.memory_space<vmem>> -> memref<768x2048xf32, #tpu.memory_space<vmem>>
    tpu.wait_dma2 semaphore(%dma_wait3A_108 : memref<!tpu.dma_semaphore, #tpu.memory_space<semaphore_mem>>) src(%dma_wait3A_114 : memref<768x2048xf32, #tpu.memory_space<vmem>>) dst(%dma_wait3A_111 : memref<768x2048xf32, #tpu.memory_space<any>>)
    %dma_wait3A_115 = arith.constant 1 : i32
    %dma_wait3A_116 = tpu.memref_slice %arg4[%dma_wait3A_115] : memref<4x!tpu.dma_semaphore, #tpu.memory_space<semaphore_mem>> -> memref<1x!tpu.dma_semaphore, #tpu.memory_space<semaphore_mem>>
    %dma_wait3A_117 = tpu.memref_squeeze %dma_wait3A_116 : memref<1x!tpu.dma_semaphore, #tpu.memory_space<semaphore_mem>> -> memref<!tpu.dma_semaphore, #tpu.memory_space<semaphore_mem>>
    %dma_wait3A_118 = arith.constant 768 : i32
    %dma_wait3A_119 = arith.constant 0 : i32
    %dma_wait3A_120 = tpu.memref_slice %arg1[%dma_wait3A_118, %dma_wait3A_119] : memref<3072x2048xf32, #tpu.memory_space<any>> -> memref<768x2048xf32, #tpu.memory_space<any>>
    %dma_wait3A_121 = arith.constant 768 : i32
    %dma_wait3A_122 = arith.constant 0 : i32
    %dma_wait3A_123 = tpu.memref_slice %arg2[%dma_wait3A_121, %dma_wait3A_122] : memref<3072x2048xf32, #tpu.memory_space<vmem>> -> memref<768x2048xf32, #tpu.memory_space<vmem>>
    tpu.wait_dma2 semaphore(%dma_wait3A_117 : memref<!tpu.dma_semaphore, #tpu.memory_space<semaphore_mem>>) src(%dma_wait3A_123 : memref<768x2048xf32, #tpu.memory_space<vmem>>) dst(%dma_wait3A_120 : memref<768x2048xf32, #tpu.memory_space<any>>)
    %dma_wait3A_124 = arith.constant 2 : i32
    %dma_wait3A_125 = tpu.memref_slice %arg4[%dma_wait3A_124] : memref<4x!tpu.dma_semaphore, #tpu.memory_space<semaphore_mem>> -> memref<1x!tpu.dma_semaphore, #tpu.memory_space<semaphore_mem>>
    %dma_wait3A_126 = tpu.memref_squeeze %dma_wait3A_125 : memref<1x!tpu.dma_semaphore, #tpu.memory_space<semaphore_mem>> -> memref<!tpu.dma_semaphore, #tpu.memory_space<semaphore_mem>>
    %dma_wait3A_127 = arith.constant 1536 : i32
    %dma_wait3A_128 = arith.constant 0 : i32
    %dma_wait3A_129 = tpu.memref_slice %arg1[%dma_wait3A_127, %dma_wait3A_128] : memref<3072x2048xf32, #tpu.memory_space<any>> -> memref<768x2048xf32, #tpu.memory_space<any>>
    %dma_wait3A_130 = arith.constant 1536 : i32
    %dma_wait3A_131 = arith.constant 0 : i32
    %dma_wait3A_132 = tpu.memref_slice %arg2[%dma_wait3A_130, %dma_wait3A_131] : memref<3072x2048xf32, #tpu.memory_space<vmem>> -> memref<768x2048xf32, #tpu.memory_space<vmem>>
    tpu.wait_dma2 semaphore(%dma_wait3A_126 : memref<!tpu.dma_semaphore, #tpu.memory_space<semaphore_mem>>) src(%dma_wait3A_132 : memref<768x2048xf32, #tpu.memory_space<vmem>>) dst(%dma_wait3A_129 : memref<768x2048xf32, #tpu.memory_space<any>>)
    %dma_wait3A_133 = arith.constant 3 : i32
    %dma_wait3A_134 = tpu.memref_slice %arg4[%dma_wait3A_133] : memref<4x!tpu.dma_semaphore, #tpu.memory_space<semaphore_mem>> -> memref<1x!tpu.dma_semaphore, #tpu.memory_space<semaphore_mem>>
    %dma_wait3A_135 = tpu.memref_squeeze %dma_wait3A_134 : memref<1x!tpu.dma_semaphore, #tpu.memory_space<semaphore_mem>> -> memref<!tpu.dma_semaphore, #tpu.memory_space<semaphore_mem>>
    %dma_wait3A_136 = arith.constant 2304 : i32
    %dma_wait3A_137 = arith.constant 0 : i32
    %dma_wait3A_138 = tpu.memref_slice %arg1[%dma_wait3A_136, %dma_wait3A_137] : memref<3072x2048xf32, #tpu.memory_space<any>> -> memref<768x2048xf32, #tpu.memory_space<any>>
    %dma_wait3A_139 = arith.constant 2304 : i32
    %dma_wait3A_140 = arith.constant 0 : i32
    %dma_wait3A_141 = tpu.memref_slice %arg2[%dma_wait3A_139, %dma_wait3A_140] : memref<3072x2048xf32, #tpu.memory_space<vmem>> -> memref<768x2048xf32, #tpu.memory_space<vmem>>
    tpu.wait_dma2 semaphore(%dma_wait3A_135 : memref<!tpu.dma_semaphore, #tpu.memory_space<semaphore_mem>>) src(%dma_wait3A_141 : memref<768x2048xf32, #tpu.memory_space<vmem>>) dst(%dma_wait3A_138 : memref<768x2048xf32, #tpu.memory_space<any>>)
    return
  }
}

</mosaic_0001>

<sc_bundles>
// kernel: kernel.4.cloned.1.call-start
scs
__scs_entry_jumppad:
0x0: {  	(pc) =	sbr.rel $0x88, $3  }
0x1: {  	(tag) =	ssettag $0x0;
	lr =	simm.s32 $0x1  }
0x2: {  	[smem:$0x3FA0] =	sst lr;
	_ =	strace $0xD0000000  }
0x3: {  	_ = 	snop  }
0x4: {  	_ = 	snop  }
0x5: {  	_ = 	snop  }
0x6: {  	_ = 	snop  }
0x7: {  	_ = 	snop  }
__scs_overlays_trampoline_lowered:
0x8: {  	[smem:$0x3FAF] =	sst s0  }
0x9: {  	[smem:$0x3FB0] =	sst s1  }
0xa: {  	[smem:$0x3FB1] =	sst s2  }
0xb: {  	[smem:$0x3FB2] =	sst s3  }
0xc: {  	[smem:$0x3FB3] =	sst s4  }
0xd: {  	[smem:$0x3FB4] =	sst s5  }
0xe: {  	[smem:$0x3FB5] =	sst s6  }
0xf: {  	[smem:$0x3FB6] =	sst s7  }
0x10: {  	[smem:$0x3FB7] =	sst s8  }
0x11: {  	[smem:$0x3FB8] =	sst s9;
	s0 =	simm.s32 @!p0 $0x0  }
0x12: {  	s1 =	sld [smem:$0x3F9E];
	s0 =	simm.s32 @p0 $0x1  }
0x13: {  	[smem:$0x3FB9] =	sst s0;
	s0 =	simm.s32 @!p1 $0x0  }
0x14: {  	s2 =	sld [smem:$0x3F9D];
	s0 =	simm.s32 @p1 $0x1  }
0x15: {  	[smem:$0x3FBA] =	sst s0;
	s0 =	simm.s32 @!p2 $0x0  }
0x16: {  	s3 =	sld [smem:$0x3FDB];
	s0 =	simm.s32 @p2 $0x1  }
0x17: {  	s4 =	simm.s32 $0x1BF5;
	[smem:$0x3FBC] =	sst s0  }
0x18: {  	s0 =	sld [smem:$0x3F9F];
	_ =	swait.ge [sflag:s4], $0x0  }
0x19: {  	s7 =	sld [smem:$0x3FA0]  }
0x1a: {  	s8 =	sadd.s32 $0xFFFFE003, lr  }
0x1b: {  	s9 =	sadd.s32 $0xFFFFFEF7, lr;
	s5 =	simm.s32 $0xFFFFFFFF;
	p2 =	slt.u32 s8, $0xFFFFF086  }
0x1c: {  	p1 =	slt.u32 s9, $0xF7A;
	s5 =	simm.s32 @!p2 $0x0  }
0x1d: {  	s5 =	simm.s32 @p1 $0x1;
	p0 =	seq.s32 s7, s2  }
0x1e: {  	s7 =	smul.u32 @!p0 $0xF7A, s2;
	p2 =	seq.s32 @!p0 s5, $0x0  }
0x1f: {  	s9 =	smul.u32 $0xF7A, s1;
	s8 =	simm.s32 @!p0 $0x1BF5;
	p2 =	por !p2, p0  }
0x20: {  	[sflag:s8] =	ssyncset.s32 @!p0 $0xFFFFF086;
	s6 =	sadd.s32 @!p0 s3, s7;
	s7 =	simm.s32 @!p0 $0x108  }
0x21: {  	s3 =	sadd.s32 s3, s9;
	s6 =	sadd.s32 @!p0 $0x88, s6;
	s7 =	simm.s32 @p2 $0x1082  }
0x22: {  	[simem:s7], [sflag:s8] =	dma.local @!p0 [hbm:s6], $0xF7A  }
0x23: {  	s9 =	sor.u32 $0xD0000000, s2;
	s6 =	simm.s32 $0x108;
	_ =	swait.ge @!p0 [sflag:s8], $0x0  }
0x24: {  	s3 =	sadd.s32 $0x88, s3;
	s6 =	simm.s32 @!p1 $0x1082;
	[sflag:s4] =	ssyncset.s32 $0xFFFFF086  }
0x25: {  	[simem:s6], [sflag:s4] =	dma.local [hbm:s3], $0xF7A  }
0x26: {  	[smem:$0x3FA0] =	sst s1;
	(tag) =	ssettag s2;
	_ =	strace s9  }
0x27: {  	s1 =	sld [smem:$0x3FB0]  }
0x28: {  	s2 =	sld [smem:$0x3FB1]  }
0x29: {  	s4 =	sld [smem:$0x3FB3]  }
0x2a: {  	p0 =	seq.s32 s5, $0x0;
	s5 =	sld [smem:$0x3FB4]  }
0x2b: {  	s6 =	sld [smem:$0x3FB5]  }
0x2c: {  	s7 =	sld [smem:$0x3FB6]  }
0x2d: {  	s3 =	simm.s32 $0x108;
	s8 =	sld [smem:$0x3FB7]  }
0x2e: {  	s3 =	simm.s32 @!p0 $0x1082;
	s9 =	sld [smem:$0x3FB8]  }
0x2f: {  	lr =	sadd.s32 s0, s3;
	s0 =	sld [smem:$0x3FAF]  }
0x30: {  	s3 =	sld [smem:$0x3FB2]  }
0x31: {  	[smem:$0x3FBB] =	sst s10  }
0x32: {  	s10 =	sld [smem:$0x3FB9];
	_ =	sdelay $0x3  }
0x33: {  	p0 =	seq.s32 s10, $0x1;
	s10 =	sld [smem:$0x3FBB];
	_ =	sdelay $0x3  }
0x34: {  	[smem:$0x3FBB] =	sst s10  }
0x35: {  	s10 =	sld [smem:$0x3FBA];
	_ =	sdelay $0x3  }
0x36: {  	p1 =	seq.s32 s10, $0x1;
	s10 =	sld [smem:$0x3FBB];
	_ =	sdelay $0x3  }
0x37: {  	[smem:$0x3FBB] =	sst s10  }
0x38: {  	s10 =	sld [smem:$0x3FBC]  }
0x39: {  	_ = 	snop;
	(pc) =	sbr.ind lr, $3  }
0x3a: {  	_ = 	snop  }
0x3b: {  	_ = 	snop  }
0x3c: {  	p2 =	seq.s32 s10, $0x1;
	s10 =	sld [smem:$0x3FBB]  }
0x3d: {  	_ =	shalt  }
0x3e: {  	_ =	shalt  }
0x3f: {  	_ =	shalt  }
0x40: {  	_ =	shalt  }
0x41: {  	_ =	shalt  }
0x42: {  	_ =	shalt  }
0x43: {  	_ =	shalt  }
0x44: {  	_ =	shalt  }
0x45: {  	_ =	shalt  }
0x46: {  	_ =	shalt  }
0x47: {  	_ =	shalt  }
0x48: {  	_ =	shalt  }
0x49: {  	_ =	shalt  }
0x4a: {  	_ =	shalt  }
0x4b: {  	_ =	shalt  }
0x4c: {  	_ =	shalt  }
0x4d: {  	_ =	shalt  }
0x4e: {  	_ =	shalt  }
0x4f: {  	_ =	shalt  }
0x50: {  	_ =	shalt  }
0x51: {  	_ =	shalt  }
0x52: {  	_ =	shalt  }
0x53: {  	_ =	shalt  }
0x54: {  	_ =	shalt  }
0x55: {  	_ =	shalt  }
0x56: {  	_ =	shalt  }
0x57: {  	_ =	shalt  }
0x58: {  	_ =	shalt  }
0x59: {  	_ =	shalt  }
0x5a: {  	_ =	shalt  }
0x5b: {  	_ =	shalt  }
0x5c: {  	_ =	shalt  }
0x5d: {  	_ =	shalt  }
0x5e: {  	_ =	shalt  }
0x5f: {  	_ =	shalt  }
0x60: {  	_ =	shalt  }
0x61: {  	_ =	shalt  }
0x62: {  	_ =	shalt  }
0x63: {  	_ =	shalt  }
0x64: {  	_ =	shalt  }
0x65: {  	_ =	shalt  }
0x66: {  	_ =	shalt  }
0x67: {  	_ =	shalt  }
0x68: {  	_ =	shalt  }
0x69: {  	_ =	shalt  }
0x6a: {  	_ =	shalt  }
0x6b: {  	_ =	shalt  }
0x6c: {  	_ =	shalt  }
0x6d: {  	_ =	shalt  }
0x6e: {  	_ =	shalt  }
0x6f: {  	_ =	shalt  }
0x70: {  	_ =	shalt  }
0x71: {  	_ =	shalt  }
0x72: {  	_ =	shalt  }
0x73: {  	_ =	shalt  }
0x74: {  	_ =	shalt  }
0x75: {  	_ =	shalt  }
0x76: {  	_ =	shalt  }
0x77: {  	_ =	shalt  }
0x78: {  	_ =	shalt  }
0x79: {  	_ =	shalt  }
0x7a: {  	_ =	shalt  }
0x7b: {  	_ =	shalt  }
0x7c: {  	_ =	shalt  }
0x7d: {  	_ =	shalt  }
0x7e: {  	_ =	shalt  }
0x7f: {  	_ =	shalt  }
0x80: {  	_ =	shalt  }
0x81: {  	_ =	shalt  }
0x82: {  	_ =	shalt  }
0x83: {  	_ =	shalt  }
0x84: {  	_ =	shalt  }
0x85: {  	_ =	shalt  }
0x86: {  	_ =	shalt  }
0x87: {  	_ =	shalt  }
.Lfunc_end0:
.L_simem_size_0:
called_computation_lowered:
.L_overlay_start_0:
0x88: {  	s2 =	sld [smem:$0x3FD9]  }
0x89: {  	s3 =	sld [smem:$0x3FFE];
	_ =	sdelay $0x1  }
0x8a: {  	s1 =	srdreg.scid  }
0x8b: {  	s0 =	sand.u32 $0x1, s1  }
0x8c: {  	s15 =	sshll.u32 s0, $0xA;
	s2 =	sadd.s32 s3, s2  }
0x8d: {  	s2 =	sadd.s32 s2, s15  }
0x8e: {  	[smem:$0x3FC7] =	sst s2  }
0x8f: {  	_ = 	snop  }
0x90: {  	s2 =	sld [smem:$0x3FD0];
	_ =	sdelay $0x2  }
0x91: {  	s4 =	simm.s32 $0xA;
	s5 =	simm.s32 $0x10;
	s16 =	sld [smem:$0x3FC9]  }
0x92: {  	[smem:s5], [sflag:s4] =	dma.local [hbm:s2], $0x1  }
0x93: {  	_ =	swait.eq [sflag:s4], $0x1  }
0x94: {  	[sflag:s4] =	ssyncset.done $0x0  }
0x95: {  	[sflag:s4] =	ssyncadd.s32 $0xFFFFFFFF  }
0x96: {  	s17 =	sld [smem:$0x11];
	(tm) =	ssettm $0x1  }
0x97: {  	s18 =	sld [smem:$0x3FFB];
	_ =	sdelay $0x3  }
0x98: {  	_ =	strace s18  }
0x99: {  	s4 =	sld [smem:$0x3FFC];
	_ =	sdelay $0x3  }
0x9a: {  	_ =	strace s4  }
0x9b: {  	s4 =	sld [smem:$0x3FFD];
	_ =	sdelay $0x3  }
0x9c: {  	_ =	strace s4  }
0x9d: {  	_ =	strace $0x8FFFFFFF  }
0x9e: {  	s19 =	sld [smem:$0x3FDB];
	_ =	sdelay $0x1  }
0x9f: {  	s20 =	simm.s32 $_scs_section_size  }
0xa0: {  	s6 =	simm.s32 $_size__tile_overlayer_lowered;
	s7 =	simm.s32 $_tile_overlayer_lowered  }
0xa1: {  	s23 =	simm.s32 $0x1BFF;
	s22 =	sshll.u32 s7, $0x1;
	s4 =	sadd.s32 s20, s19  }
0xa2: {  	s8 =	simm.s32 $0x0;
	s21 =	sshll.u32 s6, $0x1;
	s6 =	sadd.s32 s22, s4  }
0xa3: {  	[timem:s8], [sflag:s23] =	dma.local [hbm:s6], s21  }
0xa4: {  	_ =	swait.ge [sflag:s23], s21  }
0xa5: {  	s5 =	ssub.s32 $0x0, s21;
	[sflag:s23] =	ssyncset.done $0x0  }
0xa6: {  	[sflag:s23] =	ssyncadd.s32 s5;
	_ =	sdelay $0x1  }
0xa7: {  	s24 =	simm.s32 $0x1B8B  }
0xa8: {  	_ =	swait.ge [sflag:s24], $0x1  }
0xa9: {  	[sflag:s24] =	ssyncset.done $0x0  }
0xaa: {  	s25 =	simm.s32 $0x1B8E;
	[sflag:s24] =	ssyncadd.s32 $0xFFFFFFFF  }
0xab: {  	s26 =	simm.s32 $execute0_lowered;
	[smem:$0x3FD2] =	sst s25  }
0xac: {  	s5 =	sshll.u32 s26, $0x1;
	_ =	strace $0x80000046;
	[dreg:$0x1] =	wrdreg $0xFFFFFFFF  }
0xad: {  	s28 =	simm.s32 $_size_execute0_lowered;
	s4 =	sadd.s32 s4, s5;
	[dreg:$0x0] =	wrdreg $0x0  }
0xae: {  	s5 =	sshll.u32 s28, $0x1;
	[dreg:$0x2] =	wrdreg s4  }
0xaf: {  	[dreg:$0x3] =	wrdreg s5  }
0xb0: {  	[dreg:$0x4] =	wrdreg $0xC0  }
0xb1: {  	_ =	task [dreg:s8], $0x5FFFF  }
0xb2: {  	[dreg:$0x1] =	wrdreg $0xFFFFFFFF  }
0xb3: {  	[dreg:$0x0] =	wrdreg $0x60  }
0xb4: {  	[dreg:$0x2] =	wrdreg s16  }
0xb5: {  	[dreg:$0x3] =	wrdreg s17  }
0xb6: {  	[dreg:$0x4] =	wrdreg $0x9  }
0xb7: {  	_ =	task.clear_ibuf [dreg:s8], $0x5FFFF;
	_ =	strace $0x90000046  }
0xb8: {  	s29 =	simm.s32 $0x9;
	_ =	strace $0x80000048  }
0xb9: {  	_ =	swait.ge [sflag:s29], $0x1  }
0xba: {  	[sflag:s29] =	ssyncadd.s32 $0xFFFFFFFF  }
0xbb: {  	_ =	strace $0x90000048  }
0xbc: {  	_ =	sfence  }
0xbd: {  	s30 =	sld [smem:$0x0];
	_ =	sdelay $0x2  }
0xbe: {  	s31 =	sshll.u32 s1, $0xD;
	s1 =	sshrl.u32 s1, $0x2  }
0xbf: {  	s3 =	sand.u32 $0x4000, s31;
	s1 =	sadd.s32 s1, s30  }
0xc0: {  	s0 =	sor.u32 s3, s0;
	s1 =	sshll.u32 s1, $0x11  }
0xc1: {  	s0 =	sor.u32 s1, s0  }
0xc2: {  	s0 =	sadd.s32 $0x8F2B, s0  }
0xc3: {  	[sflag:s0] =	ssyncadd.remote.s32 $0x1  }
0xc4: {  	_ =	sfence.sel $0xFFFF  }
0xc5: {  	[dreg:$0x0] =	wrdreg $0xFFFFFFFF;
	(pc) =	sbr.abs _section_cstart, $3  }
0xc6: {  	[dreg:$0x1] =	wrdreg $0xFFFFFFFF  }
0xc7: {  	_ =	task.clear_ibuf [dreg:s8], $0x2FFFF;
	_ =	strace $0x9FFFFFFF  }
0xc8: {  	(tm) =	ssettm $0x7FFFFFFF  }
0xc9: {  	_ =	shalt  }
tec
execute0_lowered:
.L_overlay_start_1:
0x0: {  	(tag) =	ssettag $0x1  }
0x1: {  	s1 =	srdreg.scid  }
0x2: {  	s0 =	stileid.u32;
	s9 =	sand.u32 $0x1, s1  }
0x3: {  	s3 =	rddreg [dreg:$0x0];
	s4 =	sshll.u32 s0, $0xE;
	s5 =	sshll.u32 s9, $0xD  }
0x4: {  	s7 =	rddreg [dreg:$0x1];
	s2 =	simm.s32 $0x0;
	s8 =	sor.u32 s5, s4  }
0x5: {  	[smem:$0x7FF] =	sst s2;
	s4 =	sadd.s32 s8, s3  }
0x6: {  	s1 =	rddreg [dreg:$0x2];
	_ =	strace $0x80000047;
	s3 =	sadd.s32 $0xC0000, s4  }
0x7: {  	[tilespmem:s2], [sflag:$0x1] =	stream.linear.gather [hbm4b:s3+s2], $0x8000, $0x38;
	[tilespmem:$0x10000] =	vst v63  }
0x8: {  	s6 =	simm.s32 $0x1;
	s5 =	simm.s32 $0x8000;
	s4 =	sadd.s32 $0xC1000, s4  }
0x9: {  	[tilespmem:s5], [sflag:$0x2] =	stream.linear.gather [hbm4b:s4+s2], $0x8000, $0x38;
	[tilespmem:$0x10000] =	vst v63  }
0xa: {  	s11 =	ssub.s32 $0x2, s9;
	_ =	swait.ge [sflag:s6], $0x8000  }
0xb: {  	s12 =	sshrl.u32 s11, $0x1;
	[sflag:s6] =	ssyncset.done $0x0  }
0xc: {  	s7 =	sadd.s32 s7, s8;
	s8 =	simm.s32 $0x2;
	[sflag:s6] =	ssyncadd.s32 $0xFFFF8000  }
0xd: {  	[hbm4b:s7+s2] =	stream.linear.scatter [tilespmem:s2], [sflag:$0x3], $0x8000, $0x38;
	[tilespmem:$0x10000] =	vst v63  }
0xe: {  	s11 =	ssub.s32 s11, s12;
	_ =	swait.ge [sflag:s8], $0x8000  }
0xf: {  	s10 =	simm.s32 $0x3;
	s12 =	smax.u32 s11, $0x1;
	[sflag:s8] =	ssyncset.done $0x0  }
0x10: {  	s9 =	sadd.s32 $0x1000, s7;
	p0 =	sne.s32 s12, $0x1;
	[sflag:s8] =	ssyncadd.s32 $0xFFFF8000  }
0x11: {  	[hbm4b:s9+s2] =	stream.linear.scatter [tilespmem:s5], [sflag:$0x4], $0x8000, $0x38;
	[tilespmem:$0x10000] =	vst v63  }
.Ltmp0:
0x12: {  	_ =	swait.ge [sflag:s10], $0x8000;
	(pc) =	sbr.rel @!p0 .LBB2_2-.Ltmp0, $4  }
0x13: {  	[sflag:s10] =	ssyncset.done $0x0  }
0x14: {  	s11 =	simm.s32 $0x4;
	[sflag:s10] =	ssyncadd.s32 $0xFFFF8000  }
0x15: {  	_ =	swait.ge [sflag:s11], $0x8000  }
0x16: {  	s12 =	sadd.s32 $0xFFFFFFFF, s12;
	[sflag:s11] =	ssyncset.done $0x0  }
.LBB2_1:
0x17: {  	p0 =	sne.s32 s12, $0x1;
	s12 =	sadd.s32 $0xFFFFFFFF, s12;
	[sflag:s11] =	ssyncadd.s32 $0xFFFF8000  }
0x18: {  	[tilespmem:s2], [sflag:$0x1] =	stream.linear.gather [hbm4b:s3+s2], $0x8000, $0x38;
	[tilespmem:$0x10000] =	vst v63  }
0x19: {  	_ = 	snop  }
0x1a: {  	[tilespmem:s5], [sflag:$0x2] =	stream.linear.gather [hbm4b:s4+s2], $0x8000, $0x38;
	[tilespmem:$0x10000] =	vst v63  }
0x1b: {  	_ =	swait.ge [sflag:s6], $0x8000  }
0x1c: {  	[sflag:s6] =	ssyncset.done $0x0  }
0x1d: {  	[sflag:s6] =	ssyncadd.s32 $0xFFFF8000  }
0x1e: {  	[hbm4b:s7+s2] =	stream.linear.scatter [tilespmem:s2], [sflag:$0x3], $0x8000, $0x38;
	[tilespmem:$0x10000] =	vst v63  }
0x1f: {  	_ =	swait.ge [sflag:s8], $0x8000  }
0x20: {  	[sflag:s8] =	ssyncset.done $0x0  }
0x21: {  	[sflag:s8] =	ssyncadd.s32 $0xFFFF8000  }
0x22: {  	[hbm4b:s9+s2] =	stream.linear.scatter [tilespmem:s5], [sflag:$0x4], $0x8000, $0x38;
	[tilespmem:$0x10000] =	vst v63  }
.Ltmp1:
0x23: {  	_ =	swait.ge [sflag:s10], $0x8000;
	(pc) =	sbr.rel @p0 .LBB2_1-.Ltmp1, $4  }
0x24: {  	[sflag:s10] =	ssyncset.done $0x0  }
0x25: {  	[sflag:s10] =	ssyncadd.s32 $0xFFFF8000  }
0x26: {  	_ =	swait.ge [sflag:s11], $0x8000  }
0x27: {  	[sflag:s11] =	ssyncset.done $0x0  }
.LBB2_2:
0x28: {  	[sflag:s11] =	ssyncadd.s32 $0xFFFF8000  }
0x29: {  	_ =	sfence.sel $0x180000  }
0x2a: {  	[bflag:$0x0] =	sbarrier.arrive $0xFFFF  }
0x2b: {  	p0 =	sne.s32 s0, $0x0;
	_ =	strace $0x90000047  }
0x2c: {  	s0 =	sadd.s32 @!p0 $0x100000, s1;
	[bflag:$0x2] =	sbarrier.arrive $0xFFFF  }
0x2d: {  	[sflag:s0] =	ssyncadd.tile.s32 @!p0 $0x1;
	_ =	shalt  }
.Lfunc_end2:
_tile_overlayer_lowered:
.L_overlay_start_2:
0x2e: {  	(tag) =	ssettag $0x2  }
0x2f: {  	s0 =	rddreg [dreg:$0x0];
	s2 =	stileid.u32  }
0x30: {  	s1 =	rddreg [dreg:$0x1];
	p0 =	sne.s32 s2, $0x0  }
0x31: {  	s3 =	rddreg [dreg:$0x2];
	[bflag:$0x3] =	sbarrier.arrive $0xFFFF;
	s2 =	simm.s32 @!p0 $0x1C05  }
0x32: {  	[timem:s3], [sflag:s2] =	dma.local @!p0 [hbm:s0], s1  }
0x33: {  	s0 =	simm.s32 @!p0 $0x5  }
0x34: {  	_ =	swait.ge @!p0 [sflag:s0], s1  }
0x35: {  	s1 =	ssub.s32 @!p0 $0x0, s1;
	[sflag:s0] =	ssyncset.done @!p0 $0x0  }
0x36: {  	[sflag:s0] =	ssyncadd.s32 @!p0 s1  }
0x37: {  	[bflag:$0x3] =	sbarrier.arrive $0xFFFF  }
0x38: {  	_ =	shalt  }

</sc_bundles>
